<compile_context>
chip_gen: v7x
topology: tpu7x:2x2x1
jax: 0.10.2.dev20260603
libtpu: 0.0.44.dev20260713+nightly
codegen_flags: <defaults>
</compile_context>

<pallas_src>
import functools

import jax
import jax.numpy as jnp
from jax import lax
from jax.experimental import pallas as pl
from jax.experimental.pallas import tpu as pltpu
from jax.experimental.pallas import tpu_sc as plsc

MAXLEN = 200
N_ROWS = 1024
N_COLS = 128
NWORDS = MAXLEN * N_ROWS * N_COLS
XWORDS = N_ROWS * N_COLS
ZWORDS = NWORDS - XWORDS
NW = 32
PER_W = ZWORDS // NW
ZBUF = 32768
NFULL = PER_W // ZBUF
TAIL = PER_W - NFULL * ZBUF


def _sc_body(x_hbm, out_hbm, zbuf, sem):
    wid = lax.axis_index("s") * 2 + lax.axis_index("c")

    def _zero(i, carry):
        zbuf[pl.ds(i * 16, 16)] = jnp.zeros((16,), jnp.float32)
        return carry

    lax.fori_loop(0, ZBUF // 16, _zero, 0)

    base = wid * PER_W
    copies = []
    for k in range(NFULL):
        copies.append(
            pltpu.make_async_copy(
                zbuf, out_hbm.at[pl.ds(base + k * ZBUF, ZBUF)], sem
            )
        )
    if TAIL:
        copies.append(
            pltpu.make_async_copy(
                zbuf.at[pl.ds(0, TAIL)],
                out_hbm.at[pl.ds(base + NFULL * ZBUF, TAIL)],
                sem,
            )
        )
    for c in copies:
        c.start()

    @pl.when(wid == 0)
    def _():
        pltpu.sync_copy(x_hbm, out_hbm.at[pl.ds(ZWORDS, XWORDS)])

    for c in copies:
        c.wait()


def kernel(input):
    mesh = plsc.VectorSubcoreMesh(core_axis_name="c", subcore_axis_name="s")
    k = functools.partial(
        pl.kernel,
        mesh=mesh,
        out_type=jax.ShapeDtypeStruct((NWORDS,), jnp.float32),
        scratch_types=[
            pltpu.VMEM((ZBUF,), jnp.float32),
            pltpu.SemaphoreType.DMA,
        ],
    )(_sc_body)
    out = k(input.reshape(XWORDS))
    return out.reshape(MAXLEN, N_ROWS, N_COLS)

# --- scband reference (transcript-rebuilt; emitter-appended) ---
"""Pipeline reference for scband-buffer-19224273617357 (READ-ONLY COPY).

The authoritative reference and input builder live on the scoring server;
editing this copy changes nothing except your own understanding.
"""

import jax, jax.numpy as jnp
import numpy as np

MAXLEN = 200
FILL_VALUE = 0.0

def setup_inputs(seed: int = 0) -> dict:
    key = jax.random.key(seed)
    x = jax.random.normal(key, (1024, 128), dtype=jnp.float32)
    return {"input": x}

def reference(input):
    # haiku get_state init: buffer filled with fill_value, len_buffer=0, i_start=maxlen
    buffer = jnp.full((MAXLEN,) + input.shape, FILL_VALUE, dtype=input.dtype)
    len_buffer = 0
    # apply: roll buffer by -1 along axis 0, write x into last slot
    buffer = jnp.roll(buffer, -1, axis=0)
    buffer = buffer.at[-1].set(input)
    # state bookkeeping (not returned since return_state=False)
    len_buffer = jnp.minimum(len_buffer + 1, MAXLEN)
    i_start = MAXLEN - len_buffer
    return buffer

if __name__ == "__main__":
    import jax
    _d = setup_inputs()
    print(jax.jit(kernel)(*tuple(_d.values())))

</pallas_src>

<mosaic_0001>
#map = affine_map<(d0, d1) -> (0)>
module attributes {stable_mosaic.version = 14 : i64} {
  func.func @_sc_body(%arg0: i32, %arg1: i32, %arg2: memref<131072xf32, #tpu.memory_space<hbm>>, %arg3: memref<26214400xf32, #tpu.memory_space<hbm>>, %arg4: memref<32768xf32, #tpu.memory_space<vmem>>, %arg5: memref<!tpu.dma_semaphore, #tpu.memory_space<semaphore_mem>>) attributes {dimension_semantics = [#tpu.dimension_semantics<core_parallel>, #tpu.dimension_semantics<subcore_parallel>], iteration_bounds = array<i64: 2, 16>, scalar_prefetch = 0 : i64, scratch_operands = 2 : i64, tpu.core_type = #tpu.core_type<sc_vector_subcore>, window_params = [{transform_indices = #map}, {transform_indices = #map}]} {
    %mul3A = arith.constant 2 : i32
    %mul3A_0 = arith.muli %arg1, %mul3A : i32
    %add3A = arith.addi %mul3A_0, %arg0 : i32
    %scan3A = arith.constant 0 : i32
    %scan3A_1 = arith.constant 0 : i32
    %scan3A_2 = arith.constant 2048 : i32
    %scan3A_3 = arith.addi %scan3A_1, %scan3A_2 : i32
    %scan3A_4 = arith.constant 1 : i32
    scf.for %scan3A_166 = %scan3A_1 to %scan3A_3 step %scan3A_4  : i32 {
      %broadcast_in_dim3A = arith.constant 0.000000e+00 : f32
      %broadcast_in_dim3A_167 = vector.broadcast %broadcast_in_dim3A : f32 to vector<16xf32>
      %mul3A_168 = arith.constant 16 : i32
      %mul3A_169 = arith.muli %scan3A_166, %mul3A_168 : i32
      %swap3A = arith.index_cast %mul3A_169 : i32 to index
      %swap3A_170 = tpu.vector_load %arg4[%swap3A] {strides = array<i32>} : memref<32768xf32, #tpu.memory_space<vmem>>, vector<16xf32>,
      %swap3A_171 = vector.shape_cast %swap3A_170 : vector<16xf32> to vector<16xf32>
      %swap3A_172 = vector.shape_cast %broadcast_in_dim3A_167 : vector<16xf32> to vector<16xf32>
      tpu.vector_store %arg4[%swap3A], %swap3A_172 {strides = array<i32>} : memref<32768xf32, #tpu.memory_space<vmem>>, vector<16xf32>,
    }
    %scan3A_5 = arith.constant 2048 : i32
    %mul3A_6 = arith.constant 815104 : i32
    %mul3A_7 = arith.muli %add3A, %mul3A_6 : i32
    %add3A_8 = arith.constant 0 : i32
    %add3A_9 = arith.addi %mul3A_7, %add3A_8 : i32
    %add3A_10 = arith.constant 32768 : i32
    %add3A_11 = arith.addi %mul3A_7, %add3A_10 : i32
    %add3A_12 = arith.constant 65536 : i32
    %add3A_13 = arith.addi %mul3A_7, %add3A_12 : i32
    %add3A_14 = arith.constant 98304 : i32
    %add3A_15 = arith.addi %mul3A_7, %add3A_14 : i32
    %add3A_16 = arith.constant 131072 : i32
    %add3A_17 = arith.addi %mul3A_7, %add3A_16 : i32
    %add3A_18 = arith.constant 163840 : i32
    %add3A_19 = arith.addi %mul3A_7, %add3A_18 : i32
    %add3A_20 = arith.constant 196608 : i32
    %add3A_21 = arith.addi %mul3A_7, %add3A_20 : i32
    %add3A_22 = arith.constant 229376 : i32
    %add3A_23 = arith.addi %mul3A_7, %add3A_22 : i32
    %add3A_24 = arith.constant 262144 : i32
    %add3A_25 = arith.addi %mul3A_7, %add3A_24 : i32
    %add3A_26 = arith.constant 294912 : i32
    %add3A_27 = arith.addi %mul3A_7, %add3A_26 : i32
    %add3A_28 = arith.constant 327680 : i32
    %add3A_29 = arith.addi %mul3A_7, %add3A_28 : i32
    %add3A_30 = arith.constant 360448 : i32
    %add3A_31 = arith.addi %mul3A_7, %add3A_30 : i32
    %add3A_32 = arith.constant 393216 : i32
    %add3A_33 = arith.addi %mul3A_7, %add3A_32 : i32
    %add3A_34 = arith.constant 425984 : i32
    %add3A_35 = arith.addi %mul3A_7, %add3A_34 : i32
    %add3A_36 = arith.constant 458752 : i32
    %add3A_37 = arith.addi %mul3A_7, %add3A_36 : i32
    %add3A_38 = arith.constant 491520 : i32
    %add3A_39 = arith.addi %mul3A_7, %add3A_38 : i32
    %add3A_40 = arith.constant 524288 : i32
    %add3A_41 = arith.addi %mul3A_7, %add3A_40 : i32
    %add3A_42 = arith.constant 557056 : i32
    %add3A_43 = arith.addi %mul3A_7, %add3A_42 : i32
    %add3A_44 = arith.constant 589824 : i32
    %add3A_45 = arith.addi %mul3A_7, %add3A_44 : i32
    %add3A_46 = arith.constant 622592 : i32
    %add3A_47 = arith.addi %mul3A_7, %add3A_46 : i32
    %add3A_48 = arith.constant 655360 : i32
    %add3A_49 = arith.addi %mul3A_7, %add3A_48 : i32
    %add3A_50 = arith.constant 688128 : i32
    %add3A_51 = arith.addi %mul3A_7, %add3A_50 : i32
    %add3A_52 = arith.constant 720896 : i32
    %add3A_53 = arith.addi %mul3A_7, %add3A_52 : i32
    %add3A_54 = arith.constant 753664 : i32
    %add3A_55 = arith.addi %mul3A_7, %add3A_54 : i32
    %add3A_56 = arith.constant 786432 : i32
    %add3A_57 = arith.addi %mul3A_7, %add3A_56 : i32
    %dma_start3A = tpu.memref_slice %arg3[%add3A_9] : memref<26214400xf32, #tpu.memory_space<hbm>> -> memref<32768xf32, #tpu.memory_space<hbm>>
    %dma_start3A_58 = tpu.memref_slice %arg3[%add3A_9] : memref<26214400xf32, #tpu.memory_space<hbm>> -> memref<32768xf32, #tpu.memory_space<hbm>>
    tpu.enqueue_dma source(%arg4 : memref<32768xf32, #tpu.memory_space<vmem>>) target(%dma_start3A_58 : memref<32768xf32, #tpu.memory_space<hbm>>) target_semaphore(%arg5 : memref<!tpu.dma_semaphore, #tpu.memory_space<semaphore_mem>>)
    %dma_start3A_59 = tpu.memref_slice %arg3[%add3A_11] : memref<26214400xf32, #tpu.memory_space<hbm>> -> memref<32768xf32, #tpu.memory_space<hbm>>
    %dma_start3A_60 = tpu.memref_slice %arg3[%add3A_11] : memref<26214400xf32, #tpu.memory_space<hbm>> -> memref<32768xf32, #tpu.memory_space<hbm>>
    tpu.enqueue_dma source(%arg4 : memref<32768xf32, #tpu.memory_space<vmem>>) target(%dma_start3A_60 : memref<32768xf32, #tpu.memory_space<hbm>>) target_semaphore(%arg5 : memref<!tpu.dma_semaphore, #tpu.memory_space<semaphore_mem>>)
    %dma_start3A_61 = tpu.memref_slice %arg3[%add3A_13] : memref<26214400xf32, #tpu.memory_space<hbm>> -> memref<32768xf32, #tpu.memory_space<hbm>>
    %dma_start3A_62 = tpu.memref_slice %arg3[%add3A_13] : memref<26214400xf32, #tpu.memory_space<hbm>> -> memref<32768xf32, #tpu.memory_space<hbm>>
    tpu.enqueue_dma source(%arg4 : memref<32768xf32, #tpu.memory_space<vmem>>) target(%dma_start3A_62 : memref<32768xf32, #tpu.memory_space<hbm>>) target_semaphore(%arg5 : memref<!tpu.dma_semaphore, #tpu.memory_space<semaphore_mem>>)
    %dma_start3A_63 = tpu.memref_slice %arg3[%add3A_15] : memref<26214400xf32, #tpu.memory_space<hbm>> -> memref<32768xf32, #tpu.memory_space<hbm>>
    %dma_start3A_64 = tpu.memref_slice %arg3[%add3A_15] : memref<26214400xf32, #tpu.memory_space<hbm>> -> memref<32768xf32, #tpu.memory_space<hbm>>
    tpu.enqueue_dma source(%arg4 : memref<32768xf32, #tpu.memory_space<vmem>>) target(%dma_start3A_64 : memref<32768xf32, #tpu.memory_space<hbm>>) target_semaphore(%arg5 : memref<!tpu.dma_semaphore, #tpu.memory_space<semaphore_mem>>)
    %dma_start3A_65 = tpu.memref_slice %arg3[%add3A_17] : memref<26214400xf32, #tpu.memory_space<hbm>> -> memref<32768xf32, #tpu.memory_space<hbm>>
    %dma_start3A_66 = tpu.memref_slice %arg3[%add3A_17] : memref<26214400xf32, #tpu.memory_space<hbm>> -> memref<32768xf32, #tpu.memory_space<hbm>>
    tpu.enqueue_dma source(%arg4 : memref<32768xf32, #tpu.memory_space<vmem>>) target(%dma_start3A_66 : memref<32768xf32, #tpu.memory_space<hbm>>) target_semaphore(%arg5 : memref<!tpu.dma_semaphore, #tpu.memory_space<semaphore_mem>>)
    %dma_start3A_67 = tpu.memref_slice %arg3[%add3A_19] : memref<26214400xf32, #tpu.memory_space<hbm>> -> memref<32768xf32, #tpu.memory_space<hbm>>
    %dma_start3A_68 = tpu.memref_slice %arg3[%add3A_19] : memref<26214400xf32, #tpu.memory_space<hbm>> -> memref<32768xf32, #tpu.memory_space<hbm>>
    tpu.enqueue_dma source(%arg4 : memref<32768xf32, #tpu.memory_space<vmem>>) target(%dma_start3A_68 : memref<32768xf32, #tpu.memory_space<hbm>>) target_semaphore(%arg5 : memref<!tpu.dma_semaphore, #tpu.memory_space<semaphore_mem>>)
    %dma_start3A_69 = tpu.memref_slice %arg3[%add3A_21] : memref<26214400xf32, #tpu.memory_space<hbm>> -> memref<32768xf32, #tpu.memory_space<hbm>>
    %dma_start3A_70 = tpu.memref_slice %arg3[%add3A_21] : memref<26214400xf32, #tpu.memory_space<hbm>> -> memref<32768xf32, #tpu.memory_space<hbm>>
    tpu.enqueue_dma source(%arg4 : memref<32768xf32, #tpu.memory_space<vmem>>) target(%dma_start3A_70 : memref<32768xf32, #tpu.memory_space<hbm>>) target_semaphore(%arg5 : memref<!tpu.dma_semaphore, #tpu.memory_space<semaphore_mem>>)
    %dma_start3A_71 = tpu.memref_slice %arg3[%add3A_23] : memref<26214400xf32, #tpu.memory_space<hbm>> -> memref<32768xf32, #tpu.memory_space<hbm>>
    %dma_start3A_72 = tpu.memref_slice %arg3[%add3A_23] : memref<26214400xf32, #tpu.memory_space<hbm>> -> memref<32768xf32, #tpu.memory_space<hbm>>
    tpu.enqueue_dma source(%arg4 : memref<32768xf32, #tpu.memory_space<vmem>>) target(%dma_start3A_72 : memref<32768xf32, #tpu.memory_space<hbm>>) target_semaphore(%arg5 : memref<!tpu.dma_semaphore, #tpu.memory_space<semaphore_mem>>)
    %dma_start3A_73 = tpu.memref_slice %arg3[%add3A_25] : memref<26214400xf32, #tpu.memory_space<hbm>> -> memref<32768xf32, #tpu.memory_space<hbm>>
    %dma_start3A_74 = tpu.memref_slice %arg3[%add3A_25] : memref<26214400xf32, #tpu.memory_space<hbm>> -> memref<32768xf32, #tpu.memory_space<hbm>>
    tpu.enqueue_dma source(%arg4 : memref<32768xf32, #tpu.memory_space<vmem>>) target(%dma_start3A_74 : memref<32768xf32, #tpu.memory_space<hbm>>) target_semaphore(%arg5 : memref<!tpu.dma_semaphore, #tpu.memory_space<semaphore_mem>>)
    %dma_start3A_75 = tpu.memref_slice %arg3[%add3A_27] : memref<26214400xf32, #tpu.memory_space<hbm>> -> memref<32768xf32, #tpu.memory_space<hbm>>
    %dma_start3A_76 = tpu.memref_slice %arg3[%add3A_27] : memref<26214400xf32, #tpu.memory_space<hbm>> -> memref<32768xf32, #tpu.memory_space<hbm>>
    tpu.enqueue_dma source(%arg4 : memref<32768xf32, #tpu.memory_space<vmem>>) target(%dma_start3A_76 : memref<32768xf32, #tpu.memory_space<hbm>>) target_semaphore(%arg5 : memref<!tpu.dma_semaphore, #tpu.memory_space<semaphore_mem>>)
    %dma_start3A_77 = tpu.memref_slice %arg3[%add3A_29] : memref<26214400xf32, #tpu.memory_space<hbm>> -> memref<32768xf32, #tpu.memory_space<hbm>>
    %dma_start3A_78 = tpu.memref_slice %arg3[%add3A_29] : memref<26214400xf32, #tpu.memory_space<hbm>> -> memref<32768xf32, #tpu.memory_space<hbm>>
    tpu.enqueue_dma source(%arg4 : memref<32768xf32, #tpu.memory_space<vmem>>) target(%dma_start3A_78 : memref<32768xf32, #tpu.memory_space<hbm>>) target_semaphore(%arg5 : memref<!tpu.dma_semaphore, #tpu.memory_space<semaphore_mem>>)
    %dma_start3A_79 = tpu.memref_slice %arg3[%add3A_31] : memref<26214400xf32, #tpu.memory_space<hbm>> -> memref<32768xf32, #tpu.memory_space<hbm>>
    %dma_start3A_80 = tpu.memref_slice %arg3[%add3A_31] : memref<26214400xf32, #tpu.memory_space<hbm>> -> memref<32768xf32, #tpu.memory_space<hbm>>
    tpu.enqueue_dma source(%arg4 : memref<32768xf32, #tpu.memory_space<vmem>>) target(%dma_start3A_80 : memref<32768xf32, #tpu.memory_space<hbm>>) target_semaphore(%arg5 : memref<!tpu.dma_semaphore, #tpu.memory_space<semaphore_mem>>)
    %dma_start3A_81 = tpu.memref_slice %arg3[%add3A_33] : memref<26214400xf32, #tpu.memory_space<hbm>> -> memref<32768xf32, #tpu.memory_space<hbm>>
    %dma_start3A_82 = tpu.memref_slice %arg3[%add3A_33] : memref<26214400xf32, #tpu.memory_space<hbm>> -> memref<32768xf32, #tpu.memory_space<hbm>>
    tpu.enqueue_dma source(%arg4 : memref<32768xf32, #tpu.memory_space<vmem>>) target(%dma_start3A_82 : memref<32768xf32, #tpu.memory_space<hbm>>) target_semaphore(%arg5 : memref<!tpu.dma_semaphore, #tpu.memory_space<semaphore_mem>>)
    %dma_start3A_83 = tpu.memref_slice %arg3[%add3A_35] : memref<26214400xf32, #tpu.memory_space<hbm>> -> memref<32768xf32, #tpu.memory_space<hbm>>
    %dma_start3A_84 = tpu.memref_slice %arg3[%add3A_35] : memref<26214400xf32, #tpu.memory_space<hbm>> -> memref<32768xf32, #tpu.memory_space<hbm>>
    tpu.enqueue_dma source(%arg4 : memref<32768xf32, #tpu.memory_space<vmem>>) target(%dma_start3A_84 : memref<32768xf32, #tpu.memory_space<hbm>>) target_semaphore(%arg5 : memref<!tpu.dma_semaphore, #tpu.memory_space<semaphore_mem>>)
    %dma_start3A_85 = tpu.memref_slice %arg3[%add3A_37] : memref<26214400xf32, #tpu.memory_space<hbm>> -> memref<32768xf32, #tpu.memory_space<hbm>>
    %dma_start3A_86 = tpu.memref_slice %arg3[%add3A_37] : memref<26214400xf32, #tpu.memory_space<hbm>> -> memref<32768xf32, #tpu.memory_space<hbm>>
    tpu.enqueue_dma source(%arg4 : memref<32768xf32, #tpu.memory_space<vmem>>) target(%dma_start3A_86 : memref<32768xf32, #tpu.memory_space<hbm>>) target_semaphore(%arg5 : memref<!tpu.dma_semaphore, #tpu.memory_space<semaphore_mem>>)
    %dma_start3A_87 = tpu.memref_slice %arg3[%add3A_39] : memref<26214400xf32, #tpu.memory_space<hbm>> -> memref<32768xf32, #tpu.memory_space<hbm>>
    %dma_start3A_88 = tpu.memref_slice %arg3[%add3A_39] : memref<26214400xf32, #tpu.memory_space<hbm>> -> memref<32768xf32, #tpu.memory_space<hbm>>
    tpu.enqueue_dma source(%arg4 : memref<32768xf32, #tpu.memory_space<vmem>>) target(%dma_start3A_88 : memref<32768xf32, #tpu.memory_space<hbm>>) target_semaphore(%arg5 : memref<!tpu.dma_semaphore, #tpu.memory_space<semaphore_mem>>)
    %dma_start3A_89 = tpu.memref_slice %arg3[%add3A_41] : memref<26214400xf32, #tpu.memory_space<hbm>> -> memref<32768xf32, #tpu.memory_space<hbm>>
    %dma_start3A_90 = tpu.memref_slice %arg3[%add3A_41] : memref<26214400xf32, #tpu.memory_space<hbm>> -> memref<32768xf32, #tpu.memory_space<hbm>>
    tpu.enqueue_dma source(%arg4 : memref<32768xf32, #tpu.memory_space<vmem>>) target(%dma_start3A_90 : memref<32768xf32, #tpu.memory_space<hbm>>) target_semaphore(%arg5 : memref<!tpu.dma_semaphore, #tpu.memory_space<semaphore_mem>>)
    %dma_start3A_91 = tpu.memref_slice %arg3[%add3A_43] : memref<26214400xf32, #tpu.memory_space<hbm>> -> memref<32768xf32, #tpu.memory_space<hbm>>
    %dma_start3A_92 = tpu.memref_slice %arg3[%add3A_43] : memref<26214400xf32, #tpu.memory_space<hbm>> -> memref<32768xf32, #tpu.memory_space<hbm>>
    tpu.enqueue_dma source(%arg4 : memref<32768xf32, #tpu.memory_space<vmem>>) target(%dma_start3A_92 : memref<32768xf32, #tpu.memory_space<hbm>>) target_semaphore(%arg5 : memref<!tpu.dma_semaphore, #tpu.memory_space<semaphore_mem>>)
    %dma_start3A_93 = tpu.memref_slice %arg3[%add3A_45] : memref<26214400xf32, #tpu.memory_space<hbm>> -> memref<32768xf32, #tpu.memory_space<hbm>>
    %dma_start3A_94 = tpu.memref_slice %arg3[%add3A_45] : memref<26214400xf32, #tpu.memory_space<hbm>> -> memref<32768xf32, #tpu.memory_space<hbm>>
    tpu.enqueue_dma source(%arg4 : memref<32768xf32, #tpu.memory_space<vmem>>) target(%dma_start3A_94 : memref<32768xf32, #tpu.memory_space<hbm>>) target_semaphore(%arg5 : memref<!tpu.dma_semaphore, #tpu.memory_space<semaphore_mem>>)
    %dma_start3A_95 = tpu.memref_slice %arg3[%add3A_47] : memref<26214400xf32, #tpu.memory_space<hbm>> -> memref<32768xf32, #tpu.memory_space<hbm>>
    %dma_start3A_96 = tpu.memref_slice %arg3[%add3A_47] : memref<26214400xf32, #tpu.memory_space<hbm>> -> memref<32768xf32, #tpu.memory_space<hbm>>
    tpu.enqueue_dma source(%arg4 : memref<32768xf32, #tpu.memory_space<vmem>>) target(%dma_start3A_96 : memref<32768xf32, #tpu.memory_space<hbm>>) target_semaphore(%arg5 : memref<!tpu.dma_semaphore, #tpu.memory_space<semaphore_mem>>)
    %dma_start3A_97 = tpu.memref_slice %arg3[%add3A_49] : memref<26214400xf32, #tpu.memory_space<hbm>> -> memref<32768xf32, #tpu.memory_space<hbm>>
    %dma_start3A_98 = tpu.memref_slice %arg3[%add3A_49] : memref<26214400xf32, #tpu.memory_space<hbm>> -> memref<32768xf32, #tpu.memory_space<hbm>>
    tpu.enqueue_dma source(%arg4 : memref<32768xf32, #tpu.memory_space<vmem>>) target(%dma_start3A_98 : memref<32768xf32, #tpu.memory_space<hbm>>) target_semaphore(%arg5 : memref<!tpu.dma_semaphore, #tpu.memory_space<semaphore_mem>>)
    %dma_start3A_99 = tpu.memref_slice %arg3[%add3A_51] : memref<26214400xf32, #tpu.memory_space<hbm>> -> memref<32768xf32, #tpu.memory_space<hbm>>
    %dma_start3A_100 = tpu.memref_slice %arg3[%add3A_51] : memref<26214400xf32, #tpu.memory_space<hbm>> -> memref<32768xf32, #tpu.memory_space<hbm>>
    tpu.enqueue_dma source(%arg4 : memref<32768xf32, #tpu.memory_space<vmem>>) target(%dma_start3A_100 : memref<32768xf32, #tpu.memory_space<hbm>>) target_semaphore(%arg5 : memref<!tpu.dma_semaphore, #tpu.memory_space<semaphore_mem>>)
    %dma_start3A_101 = tpu.memref_slice %arg3[%add3A_53] : memref<26214400xf32, #tpu.memory_space<hbm>> -> memref<32768xf32, #tpu.memory_space<hbm>>
    %dma_start3A_102 = tpu.memref_slice %arg3[%add3A_53] : memref<26214400xf32, #tpu.memory_space<hbm>> -> memref<32768xf32, #tpu.memory_space<hbm>>
    tpu.enqueue_dma source(%arg4 : memref<32768xf32, #tpu.memory_space<vmem>>) target(%dma_start3A_102 : memref<32768xf32, #tpu.memory_space<hbm>>) target_semaphore(%arg5 : memref<!tpu.dma_semaphore, #tpu.memory_space<semaphore_mem>>)
    %dma_start3A_103 = tpu.memref_slice %arg3[%add3A_55] : memref<26214400xf32, #tpu.memory_space<hbm>> -> memref<32768xf32, #tpu.memory_space<hbm>>
    %dma_start3A_104 = tpu.memref_slice %arg3[%add3A_55] : memref<26214400xf32, #tpu.memory_space<hbm>> -> memref<32768xf32, #tpu.memory_space<hbm>>
    tpu.enqueue_dma source(%arg4 : memref<32768xf32, #tpu.memory_space<vmem>>) target(%dma_start3A_104 : memref<32768xf32, #tpu.memory_space<hbm>>) target_semaphore(%arg5 : memref<!tpu.dma_semaphore, #tpu.memory_space<semaphore_mem>>)
    %dma_start3A_105 = arith.constant 0 : i32
    %dma_start3A_106 = tpu.memref_slice %arg4[%dma_start3A_105] : memref<32768xf32, #tpu.memory_space<vmem>> -> memref<28672xf32, #tpu.memory_space<vmem>>
    %dma_start3A_107 = tpu.memref_slice %arg3[%add3A_57] : memref<26214400xf32, #tpu.memory_space<hbm>> -> memref<28672xf32, #tpu.memory_space<hbm>>
    %dma_start3A_108 = tpu.memref_slice %arg3[%add3A_57] : memref<26214400xf32, #tpu.memory_space<hbm>> -> memref<28672xf32, #tpu.memory_space<hbm>>
    %dma_start3A_109 = arith.constant 0 : i32
    %dma_start3A_110 = tpu.memref_slice %arg4[%dma_start3A_109] : memref<32768xf32, #tpu.memory_space<vmem>> -> memref<28672xf32, #tpu.memory_space<vmem>>
    tpu.enqueue_dma source(%dma_start3A_110 : memref<28672xf32, #tpu.memory_space<vmem>>) target(%dma_start3A_108 : memref<28672xf32, #tpu.memory_space<hbm>>) target_semaphore(%arg5 : memref<!tpu.dma_semaphore, #tpu.memory_space<semaphore_mem>>)
    %eq3A = arith.constant 0 : i32
    %eq3A_111 = arith.cmpi eq, %add3A, %eq3A : i32
    %convert_element_type3A = arith.extui %eq3A_111 : i1 to i32
    %cond3A = arith.constant 0 : i32
    %cond3A_112 = arith.cmpi ne, %convert_element_type3A, %cond3A : i32
    scf.if %cond3A_112 {
      "tpu.region"() ({
        %run_scoped3A = tpu.sem_alloc : memref<!tpu.dma_semaphore, #tpu.memory_space<semaphore_mem>>
        %dma_start3A_166 = arith.constant 26083328 : i32
        %dma_start3A_167 = tpu.memref_slice %arg3[%dma_start3A_166] : memref<26214400xf32, #tpu.memory_space<hbm>> -> memref<131072xf32, #tpu.memory_space<hbm>>
        tpu.enqueue_dma source(%arg2 : memref<131072xf32, #tpu.memory_space<hbm>>) target(%dma_start3A_167 : memref<131072xf32, #tpu.memory_space<hbm>>) target_semaphore(%run_scoped3A : memref<!tpu.dma_semaphore, #tpu.memory_space<semaphore_mem>>)
        %dma_wait3A_168 = arith.constant 26083328 : i32
        %dma_wait3A_169 = tpu.memref_slice %arg3[%dma_wait3A_168] : memref<26214400xf32, #tpu.memory_space<hbm>> -> memref<131072xf32, #tpu.memory_space<hbm>>
        tpu.wait_dma2 semaphore(%run_scoped3A : memref<!tpu.dma_semaphore, #tpu.memory_space<semaphore_mem>>) src(%arg2 : memref<131072xf32, #tpu.memory_space<hbm>>) dst(%dma_wait3A_169 : memref<131072xf32, #tpu.memory_space<hbm>>)
        tpu.yield
      }) : () -> ()
    } else {
    }
    %dma_wait3A = tpu.memref_slice %arg3[%add3A_9] : memref<26214400xf32, #tpu.memory_space<hbm>> -> memref<32768xf32, #tpu.memory_space<hbm>>
    %dma_wait3A_113 = tpu.memref_slice %arg3[%add3A_9] : memref<26214400xf32, #tpu.memory_space<hbm>> -> memref<32768xf32, #tpu.memory_space<hbm>>
    tpu.wait_dma2 semaphore(%arg5 : memref<!tpu.dma_semaphore, #tpu.memory_space<semaphore_mem>>) src(%arg4 : memref<32768xf32, #tpu.memory_space<vmem>>) dst(%dma_wait3A_113 : memref<32768xf32, #tpu.memory_space<hbm>>)
    %dma_wait3A_114 = tpu.memref_slice %arg3[%add3A_11] : memref<26214400xf32, #tpu.memory_space<hbm>> -> memref<32768xf32, #tpu.memory_space<hbm>>
    %dma_wait3A_115 = tpu.memref_slice %arg3[%add3A_11] : memref<26214400xf32, #tpu.memory_space<hbm>> -> memref<32768xf32, #tpu.memory_space<hbm>>
    tpu.wait_dma2 semaphore(%arg5 : memref<!tpu.dma_semaphore, #tpu.memory_space<semaphore_mem>>) src(%arg4 : memref<32768xf32, #tpu.memory_space<vmem>>) dst(%dma_wait3A_115 : memref<32768xf32, #tpu.memory_space<hbm>>)
    %dma_wait3A_116 = tpu.memref_slice %arg3[%add3A_13] : memref<26214400xf32, #tpu.memory_space<hbm>> -> memref<32768xf32, #tpu.memory_space<hbm>>
    %dma_wait3A_117 = tpu.memref_slice %arg3[%add3A_13] : memref<26214400xf32, #tpu.memory_space<hbm>> -> memref<32768xf32, #tpu.memory_space<hbm>>
    tpu.wait_dma2 semaphore(%arg5 : memref<!tpu.dma_semaphore, #tpu.memory_space<semaphore_mem>>) src(%arg4 : memref<32768xf32, #tpu.memory_space<vmem>>) dst(%dma_wait3A_117 : memref<32768xf32, #tpu.memory_space<hbm>>)
    %dma_wait3A_118 = tpu.memref_slice %arg3[%add3A_15] : memref<26214400xf32, #tpu.memory_space<hbm>> -> memref<32768xf32, #tpu.memory_space<hbm>>
    %dma_wait3A_119 = tpu.memref_slice %arg3[%add3A_15] : memref<26214400xf32, #tpu.memory_space<hbm>> -> memref<32768xf32, #tpu.memory_space<hbm>>
    tpu.wait_dma2 semaphore(%arg5 : memref<!tpu.dma_semaphore, #tpu.memory_space<semaphore_mem>>) src(%arg4 : memref<32768xf32, #tpu.memory_space<vmem>>) dst(%dma_wait3A_119 : memref<32768xf32, #tpu.memory_space<hbm>>)
    %dma_wait3A_120 = tpu.memref_slice %arg3[%add3A_17] : memref<26214400xf32, #tpu.memory_space<hbm>> -> memref<32768xf32, #tpu.memory_space<hbm>>
    %dma_wait3A_121 = tpu.memref_slice %arg3[%add3A_17] : memref<26214400xf32, #tpu.memory_space<hbm>> -> memref<32768xf32, #tpu.memory_space<hbm>>
    tpu.wait_dma2 semaphore(%arg5 : memref<!tpu.dma_semaphore, #tpu.memory_space<semaphore_mem>>) src(%arg4 : memref<32768xf32, #tpu.memory_space<vmem>>) dst(%dma_wait3A_121 : memref<32768xf32, #tpu.memory_space<hbm>>)
    %dma_wait3A_122 = tpu.memref_slice %arg3[%add3A_19] : memref<26214400xf32, #tpu.memory_space<hbm>> -> memref<32768xf32, #tpu.memory_space<hbm>>
    %dma_wait3A_123 = tpu.memref_slice %arg3[%add3A_19] : memref<26214400xf32, #tpu.memory_space<hbm>> -> memref<32768xf32, #tpu.memory_space<hbm>>
    tpu.wait_dma2 semaphore(%arg5 : memref<!tpu.dma_semaphore, #tpu.memory_space<semaphore_mem>>) src(%arg4 : memref<32768xf32, #tpu.memory_space<vmem>>) dst(%dma_wait3A_123 : memref<32768xf32, #tpu.memory_space<hbm>>)
    %dma_wait3A_124 = tpu.memref_slice %arg3[%add3A_21] : memref<26214400xf32, #tpu.memory_space<hbm>> -> memref<32768xf32, #tpu.memory_space<hbm>>
    %dma_wait3A_125 = tpu.memref_slice %arg3[%add3A_21] : memref<26214400xf32, #tpu.memory_space<hbm>> -> memref<32768xf32, #tpu.memory_space<hbm>>
    tpu.wait_dma2 semaphore(%arg5 : memref<!tpu.dma_semaphore, #tpu.memory_space<semaphore_mem>>) src(%arg4 : memref<32768xf32, #tpu.memory_space<vmem>>) dst(%dma_wait3A_125 : memref<32768xf32, #tpu.memory_space<hbm>>)
    %dma_wait3A_126 = tpu.memref_slice %arg3[%add3A_23] : memref<26214400xf32, #tpu.memory_space<hbm>> -> memref<32768xf32, #tpu.memory_space<hbm>>
    %dma_wait3A_127 = tpu.memref_slice %arg3[%add3A_23] : memref<26214400xf32, #tpu.memory_space<hbm>> -> memref<32768xf32, #tpu.memory_space<hbm>>
    tpu.wait_dma2 semaphore(%arg5 : memref<!tpu.dma_semaphore, #tpu.memory_space<semaphore_mem>>) src(%arg4 : memref<32768xf32, #tpu.memory_space<vmem>>) dst(%dma_wait3A_127 : memref<32768xf32, #tpu.memory_space<hbm>>)
    %dma_wait3A_128 = tpu.memref_slice %arg3[%add3A_25] : memref<26214400xf32, #tpu.memory_space<hbm>> -> memref<32768xf32, #tpu.memory_space<hbm>>
    %dma_wait3A_129 = tpu.memref_slice %arg3[%add3A_25] : memref<26214400xf32, #tpu.memory_space<hbm>> -> memref<32768xf32, #tpu.memory_space<hbm>>
    tpu.wait_dma2 semaphore(%arg5 : memref<!tpu.dma_semaphore, #tpu.memory_space<semaphore_mem>>) src(%arg4 : memref<32768xf32, #tpu.memory_space<vmem>>) dst(%dma_wait3A_129 : memref<32768xf32, #tpu.memory_space<hbm>>)
    %dma_wait3A_130 = tpu.memref_slice %arg3[%add3A_27] : memref<26214400xf32, #tpu.memory_space<hbm>> -> memref<32768xf32, #tpu.memory_space<hbm>>
    %dma_wait3A_131 = tpu.memref_slice %arg3[%add3A_27] : memref<26214400xf32, #tpu.memory_space<hbm>> -> memref<32768xf32, #tpu.memory_space<hbm>>
    tpu.wait_dma2 semaphore(%arg5 : memref<!tpu.dma_semaphore, #tpu.memory_space<semaphore_mem>>) src(%arg4 : memref<32768xf32, #tpu.memory_space<vmem>>) dst(%dma_wait3A_131 : memref<32768xf32, #tpu.memory_space<hbm>>)
    %dma_wait3A_132 = tpu.memref_slice %arg3[%add3A_29] : memref<26214400xf32, #tpu.memory_space<hbm>> -> memref<32768xf32, #tpu.memory_space<hbm>>
    %dma_wait3A_133 = tpu.memref_slice %arg3[%add3A_29] : memref<26214400xf32, #tpu.memory_space<hbm>> -> memref<32768xf32, #tpu.memory_space<hbm>>
    tpu.wait_dma2 semaphore(%arg5 : memref<!tpu.dma_semaphore, #tpu.memory_space<semaphore_mem>>) src(%arg4 : memref<32768xf32, #tpu.memory_space<vmem>>) dst(%dma_wait3A_133 : memref<32768xf32, #tpu.memory_space<hbm>>)
    %dma_wait3A_134 = tpu.memref_slice %arg3[%add3A_31] : memref<26214400xf32, #tpu.memory_space<hbm>> -> memref<32768xf32, #tpu.memory_space<hbm>>
    %dma_wait3A_135 = tpu.memref_slice %arg3[%add3A_31] : memref<26214400xf32, #tpu.memory_space<hbm>> -> memref<32768xf32, #tpu.memory_space<hbm>>
    tpu.wait_dma2 semaphore(%arg5 : memref<!tpu.dma_semaphore, #tpu.memory_space<semaphore_mem>>) src(%arg4 : memref<32768xf32, #tpu.memory_space<vmem>>) dst(%dma_wait3A_135 : memref<32768xf32, #tpu.memory_space<hbm>>)
    %dma_wait3A_136 = tpu.memref_slice %arg3[%add3A_33] : memref<26214400xf32, #tpu.memory_space<hbm>> -> memref<32768xf32, #tpu.memory_space<hbm>>
    %dma_wait3A_137 = tpu.memref_slice %arg3[%add3A_33] : memref<26214400xf32, #tpu.memory_space<hbm>> -> memref<32768xf32, #tpu.memory_space<hbm>>
    tpu.wait_dma2 semaphore(%arg5 : memref<!tpu.dma_semaphore, #tpu.memory_space<semaphore_mem>>) src(%arg4 : memref<32768xf32, #tpu.memory_space<vmem>>) dst(%dma_wait3A_137 : memref<32768xf32, #tpu.memory_space<hbm>>)
    %dma_wait3A_138 = tpu.memref_slice %arg3[%add3A_35] : memref<26214400xf32, #tpu.memory_space<hbm>> -> memref<32768xf32, #tpu.memory_space<hbm>>
    %dma_wait3A_139 = tpu.memref_slice %arg3[%add3A_35] : memref<26214400xf32, #tpu.memory_space<hbm>> -> memref<32768xf32, #tpu.memory_space<hbm>>
    tpu.wait_dma2 semaphore(%arg5 : memref<!tpu.dma_semaphore, #tpu.memory_space<semaphore_mem>>) src(%arg4 : memref<32768xf32, #tpu.memory_space<vmem>>) dst(%dma_wait3A_139 : memref<32768xf32, #tpu.memory_space<hbm>>)
    %dma_wait3A_140 = tpu.memref_slice %arg3[%add3A_37] : memref<26214400xf32, #tpu.memory_space<hbm>> -> memref<32768xf32, #tpu.memory_space<hbm>>
    %dma_wait3A_141 = tpu.memref_slice %arg3[%add3A_37] : memref<26214400xf32, #tpu.memory_space<hbm>> -> memref<32768xf32, #tpu.memory_space<hbm>>
    tpu.wait_dma2 semaphore(%arg5 : memref<!tpu.dma_semaphore, #tpu.memory_space<semaphore_mem>>) src(%arg4 : memref<32768xf32, #tpu.memory_space<vmem>>) dst(%dma_wait3A_141 : memref<32768xf32, #tpu.memory_space<hbm>>)
    %dma_wait3A_142 = tpu.memref_slice %arg3[%add3A_39] : memref<26214400xf32, #tpu.memory_space<hbm>> -> memref<32768xf32, #tpu.memory_space<hbm>>
    %dma_wait3A_143 = tpu.memref_slice %arg3[%add3A_39] : memref<26214400xf32, #tpu.memory_space<hbm>> -> memref<32768xf32, #tpu.memory_space<hbm>>
    tpu.wait_dma2 semaphore(%arg5 : memref<!tpu.dma_semaphore, #tpu.memory_space<semaphore_mem>>) src(%arg4 : memref<32768xf32, #tpu.memory_space<vmem>>) dst(%dma_wait3A_143 : memref<32768xf32, #tpu.memory_space<hbm>>)
    %dma_wait3A_144 = tpu.memref_slice %arg3[%add3A_41] : memref<26214400xf32, #tpu.memory_space<hbm>> -> memref<32768xf32, #tpu.memory_space<hbm>>
    %dma_wait3A_145 = tpu.memref_slice %arg3[%add3A_41] : memref<26214400xf32, #tpu.memory_space<hbm>> -> memref<32768xf32, #tpu.memory_space<hbm>>
    tpu.wait_dma2 semaphore(%arg5 : memref<!tpu.dma_semaphore, #tpu.memory_space<semaphore_mem>>) src(%arg4 : memref<32768xf32, #tpu.memory_space<vmem>>) dst(%dma_wait3A_145 : memref<32768xf32, #tpu.memory_space<hbm>>)
    %dma_wait3A_146 = tpu.memref_slice %arg3[%add3A_43] : memref<26214400xf32, #tpu.memory_space<hbm>> -> memref<32768xf32, #tpu.memory_space<hbm>>
    %dma_wait3A_147 = tpu.memref_slice %arg3[%add3A_43] : memref<26214400xf32, #tpu.memory_space<hbm>> -> memref<32768xf32, #tpu.memory_space<hbm>>
    tpu.wait_dma2 semaphore(%arg5 : memref<!tpu.dma_semaphore, #tpu.memory_space<semaphore_mem>>) src(%arg4 : memref<32768xf32, #tpu.memory_space<vmem>>) dst(%dma_wait3A_147 : memref<32768xf32, #tpu.memory_space<hbm>>)
    %dma_wait3A_148 = tpu.memref_slice %arg3[%add3A_45] : memref<26214400xf32, #tpu.memory_space<hbm>> -> memref<32768xf32, #tpu.memory_space<hbm>>
    %dma_wait3A_149 = tpu.memref_slice %arg3[%add3A_45] : memref<26214400xf32, #tpu.memory_space<hbm>> -> memref<32768xf32, #tpu.memory_space<hbm>>
    tpu.wait_dma2 semaphore(%arg5 : memref<!tpu.dma_semaphore, #tpu.memory_space<semaphore_mem>>) src(%arg4 : memref<32768xf32, #tpu.memory_space<vmem>>) dst(%dma_wait3A_149 : memref<32768xf32, #tpu.memory_space<hbm>>)
    %dma_wait3A_150 = tpu.memref_slice %arg3[%add3A_47] : memref<26214400xf32, #tpu.memory_space<hbm>> -> memref<32768xf32, #tpu.memory_space<hbm>>
    %dma_wait3A_151 = tpu.memref_slice %arg3[%add3A_47] : memref<26214400xf32, #tpu.memory_space<hbm>> -> memref<32768xf32, #tpu.memory_space<hbm>>
    tpu.wait_dma2 semaphore(%arg5 : memref<!tpu.dma_semaphore, #tpu.memory_space<semaphore_mem>>) src(%arg4 : memref<32768xf32, #tpu.memory_space<vmem>>) dst(%dma_wait3A_151 : memref<32768xf32, #tpu.memory_space<hbm>>)
    %dma_wait3A_152 = tpu.memref_slice %arg3[%add3A_49] : memref<26214400xf32, #tpu.memory_space<hbm>> -> memref<32768xf32, #tpu.memory_space<hbm>>
    %dma_wait3A_153 = tpu.memref_slice %arg3[%add3A_49] : memref<26214400xf32, #tpu.memory_space<hbm>> -> memref<32768xf32, #tpu.memory_space<hbm>>
    tpu.wait_dma2 semaphore(%arg5 : memref<!tpu.dma_semaphore, #tpu.memory_space<semaphore_mem>>) src(%arg4 : memref<32768xf32, #tpu.memory_space<vmem>>) dst(%dma_wait3A_153 : memref<32768xf32, #tpu.memory_space<hbm>>)
    %dma_wait3A_154 = tpu.memref_slice %arg3[%add3A_51] : memref<26214400xf32, #tpu.memory_space<hbm>> -> memref<32768xf32, #tpu.memory_space<hbm>>
    %dma_wait3A_155 = tpu.memref_slice %arg3[%add3A_51] : memref<26214400xf32, #tpu.memory_space<hbm>> -> memref<32768xf32, #tpu.memory_space<hbm>>
    tpu.wait_dma2 semaphore(%arg5 : memref<!tpu.dma_semaphore, #tpu.memory_space<semaphore_mem>>) src(%arg4 : memref<32768xf32, #tpu.memory_space<vmem>>) dst(%dma_wait3A_155 : memref<32768xf32, #tpu.memory_space<hbm>>)
    %dma_wait3A_156 = tpu.memref_slice %arg3[%add3A_53] : memref<26214400xf32, #tpu.memory_space<hbm>> -> memref<32768xf32, #tpu.memory_space<hbm>>
    %dma_wait3A_157 = tpu.memref_slice %arg3[%add3A_53] : memref<26214400xf32, #tpu.memory_space<hbm>> -> memref<32768xf32, #tpu.memory_space<hbm>>
    tpu.wait_dma2 semaphore(%arg5 : memref<!tpu.dma_semaphore, #tpu.memory_space<semaphore_mem>>) src(%arg4 : memref<32768xf32, #tpu.memory_space<vmem>>) dst(%dma_wait3A_157 : memref<32768xf32, #tpu.memory_space<hbm>>)
    %dma_wait3A_158 = tpu.memref_slice %arg3[%add3A_55] : memref<26214400xf32, #tpu.memory_space<hbm>> -> memref<32768xf32, #tpu.memory_space<hbm>>
    %dma_wait3A_159 = tpu.memref_slice %arg3[%add3A_55] : memref<26214400xf32, #tpu.memory_space<hbm>> -> memref<32768xf32, #tpu.memory_space<hbm>>
    tpu.wait_dma2 semaphore(%arg5 : memref<!tpu.dma_semaphore, #tpu.memory_space<semaphore_mem>>) src(%arg4 : memref<32768xf32, #tpu.memory_space<vmem>>) dst(%dma_wait3A_159 : memref<32768xf32, #tpu.memory_space<hbm>>)
    %dma_wait3A_160 = arith.constant 0 : i32
    %dma_wait3A_161 = tpu.memref_slice %arg4[%dma_wait3A_160] : memref<32768xf32, #tpu.memory_space<vmem>> -> memref<28672xf32, #tpu.memory_space<vmem>>
    %dma_wait3A_162 = tpu.memref_slice %arg3[%add3A_57] : memref<26214400xf32, #tpu.memory_space<hbm>> -> memref<28672xf32, #tpu.memory_space<hbm>>
    %dma_wait3A_163 = tpu.memref_slice %arg3[%add3A_57] : memref<26214400xf32, #tpu.memory_space<hbm>> -> memref<28672xf32, #tpu.memory_space<hbm>>
    %dma_wait3A_164 = arith.constant 0 : i32
    %dma_wait3A_165 = tpu.memref_slice %arg4[%dma_wait3A_164] : memref<32768xf32, #tpu.memory_space<vmem>> -> memref<28672xf32, #tpu.memory_space<vmem>>
    tpu.wait_dma2 semaphore(%arg5 : memref<!tpu.dma_semaphore, #tpu.memory_space<semaphore_mem>>) src(%dma_wait3A_165 : memref<28672xf32, #tpu.memory_space<vmem>>) dst(%dma_wait3A_163 : memref<28672xf32, #tpu.memory_space<hbm>>)
    return
  }
}

</mosaic_0001>

<sc_bundles>
// kernel: kernel.3.cloned.1.call-start
scs
__scs_entry_jumppad:
0x0: {  	(pc) =	sbr.rel $0x88, $3  }
0x1: {  	(tag) =	ssettag $0x0;
	lr =	simm.s32 $0x1  }
0x2: {  	[smem:$0x3FA0] =	sst lr;
	_ =	strace $0xD0000000  }
0x3: {  	_ = 	snop  }
0x4: {  	_ = 	snop  }
0x5: {  	_ = 	snop  }
0x6: {  	_ = 	snop  }
0x7: {  	_ = 	snop  }
__scs_overlays_trampoline_lowered:
0x8: {  	[smem:$0x3FAF] =	sst s0  }
0x9: {  	[smem:$0x3FB0] =	sst s1  }
0xa: {  	[smem:$0x3FB1] =	sst s2  }
0xb: {  	[smem:$0x3FB2] =	sst s3  }
0xc: {  	[smem:$0x3FB3] =	sst s4  }
0xd: {  	[smem:$0x3FB4] =	sst s5  }
0xe: {  	[smem:$0x3FB5] =	sst s6  }
0xf: {  	[smem:$0x3FB6] =	sst s7  }
0x10: {  	[smem:$0x3FB7] =	sst s8  }
0x11: {  	[smem:$0x3FB8] =	sst s9;
	s0 =	simm.s32 @!p0 $0x0  }
0x12: {  	s1 =	sld [smem:$0x3F9E];
	s0 =	simm.s32 @p0 $0x1  }
0x13: {  	[smem:$0x3FB9] =	sst s0;
	s0 =	simm.s32 @!p1 $0x0  }
0x14: {  	s2 =	sld [smem:$0x3F9D];
	s0 =	simm.s32 @p1 $0x1  }
0x15: {  	[smem:$0x3FBA] =	sst s0;
	s0 =	simm.s32 @!p2 $0x0  }
0x16: {  	s3 =	sld [smem:$0x3FDB];
	s0 =	simm.s32 @p2 $0x1  }
0x17: {  	s4 =	simm.s32 $0x1BF5;
	[smem:$0x3FBC] =	sst s0  }
0x18: {  	s0 =	sld [smem:$0x3F9F];
	_ =	swait.ge [sflag:s4], $0x0  }
0x19: {  	s7 =	sld [smem:$0x3FA0]  }
0x1a: {  	s8 =	sadd.s32 $0xFFFFE003, lr  }
0x1b: {  	s9 =	sadd.s32 $0xFFFFFEF7, lr;
	s5 =	simm.s32 $0xFFFFFFFF;
	p2 =	slt.u32 s8, $0xFFFFF086  }
0x1c: {  	p1 =	slt.u32 s9, $0xF7A;
	s5 =	simm.s32 @!p2 $0x0  }
0x1d: {  	s5 =	simm.s32 @p1 $0x1;
	p0 =	seq.s32 s7, s2  }
0x1e: {  	s7 =	smul.u32 @!p0 $0xF7A, s2;
	p2 =	seq.s32 @!p0 s5, $0x0  }
0x1f: {  	s9 =	smul.u32 $0xF7A, s1;
	s8 =	simm.s32 @!p0 $0x1BF5;
	p2 =	por !p2, p0  }
0x20: {  	[sflag:s8] =	ssyncset.s32 @!p0 $0xFFFFF086;
	s6 =	sadd.s32 @!p0 s3, s7;
	s7 =	simm.s32 @!p0 $0x108  }
0x21: {  	s3 =	sadd.s32 s3, s9;
	s6 =	sadd.s32 @!p0 $0x88, s6;
	s7 =	simm.s32 @p2 $0x1082  }
0x22: {  	[simem:s7], [sflag:s8] =	dma.local @!p0 [hbm:s6], $0xF7A  }
0x23: {  	s9 =	sor.u32 $0xD0000000, s2;
	s6 =	simm.s32 $0x108;
	_ =	swait.ge @!p0 [sflag:s8], $0x0  }
0x24: {  	s3 =	sadd.s32 $0x88, s3;
	s6 =	simm.s32 @!p1 $0x1082;
	[sflag:s4] =	ssyncset.s32 $0xFFFFF086  }
0x25: {  	[simem:s6], [sflag:s4] =	dma.local [hbm:s3], $0xF7A  }
0x26: {  	[smem:$0x3FA0] =	sst s1;
	(tag) =	ssettag s2;
	_ =	strace s9  }
0x27: {  	s1 =	sld [smem:$0x3FB0]  }
0x28: {  	s2 =	sld [smem:$0x3FB1]  }
0x29: {  	s4 =	sld [smem:$0x3FB3]  }
0x2a: {  	p0 =	seq.s32 s5, $0x0;
	s5 =	sld [smem:$0x3FB4]  }
0x2b: {  	s6 =	sld [smem:$0x3FB5]  }
0x2c: {  	s7 =	sld [smem:$0x3FB6]  }
0x2d: {  	s3 =	simm.s32 $0x108;
	s8 =	sld [smem:$0x3FB7]  }
0x2e: {  	s3 =	simm.s32 @!p0 $0x1082;
	s9 =	sld [smem:$0x3FB8]  }
0x2f: {  	lr =	sadd.s32 s0, s3;
	s0 =	sld [smem:$0x3FAF]  }
0x30: {  	s3 =	sld [smem:$0x3FB2]  }
0x31: {  	[smem:$0x3FBB] =	sst s10  }
0x32: {  	s10 =	sld [smem:$0x3FB9];
	_ =	sdelay $0x3  }
0x33: {  	p0 =	seq.s32 s10, $0x1;
	s10 =	sld [smem:$0x3FBB];
	_ =	sdelay $0x3  }
0x34: {  	[smem:$0x3FBB] =	sst s10  }
0x35: {  	s10 =	sld [smem:$0x3FBA];
	_ =	sdelay $0x3  }
0x36: {  	p1 =	seq.s32 s10, $0x1;
	s10 =	sld [smem:$0x3FBB];
	_ =	sdelay $0x3  }
0x37: {  	[smem:$0x3FBB] =	sst s10  }
0x38: {  	s10 =	sld [smem:$0x3FBC]  }
0x39: {  	_ = 	snop;
	(pc) =	sbr.ind lr, $3  }
0x3a: {  	_ = 	snop  }
0x3b: {  	_ = 	snop  }
0x3c: {  	p2 =	seq.s32 s10, $0x1;
	s10 =	sld [smem:$0x3FBB]  }
0x3d: {  	_ =	shalt  }
0x3e: {  	_ =	shalt  }
0x3f: {  	_ =	shalt  }
0x40: {  	_ =	shalt  }
0x41: {  	_ =	shalt  }
0x42: {  	_ =	shalt  }
0x43: {  	_ =	shalt  }
0x44: {  	_ =	shalt  }
0x45: {  	_ =	shalt  }
0x46: {  	_ =	shalt  }
0x47: {  	_ =	shalt  }
0x48: {  	_ =	shalt  }
0x49: {  	_ =	shalt  }
0x4a: {  	_ =	shalt  }
0x4b: {  	_ =	shalt  }
0x4c: {  	_ =	shalt  }
0x4d: {  	_ =	shalt  }
0x4e: {  	_ =	shalt  }
0x4f: {  	_ =	shalt  }
0x50: {  	_ =	shalt  }
0x51: {  	_ =	shalt  }
0x52: {  	_ =	shalt  }
0x53: {  	_ =	shalt  }
0x54: {  	_ =	shalt  }
0x55: {  	_ =	shalt  }
0x56: {  	_ =	shalt  }
0x57: {  	_ =	shalt  }
0x58: {  	_ =	shalt  }
0x59: {  	_ =	shalt  }
0x5a: {  	_ =	shalt  }
0x5b: {  	_ =	shalt  }
0x5c: {  	_ =	shalt  }
0x5d: {  	_ =	shalt  }
0x5e: {  	_ =	shalt  }
0x5f: {  	_ =	shalt  }
0x60: {  	_ =	shalt  }
0x61: {  	_ =	shalt  }
0x62: {  	_ =	shalt  }
0x63: {  	_ =	shalt  }
0x64: {  	_ =	shalt  }
0x65: {  	_ =	shalt  }
0x66: {  	_ =	shalt  }
0x67: {  	_ =	shalt  }
0x68: {  	_ =	shalt  }
0x69: {  	_ =	shalt  }
0x6a: {  	_ =	shalt  }
0x6b: {  	_ =	shalt  }
0x6c: {  	_ =	shalt  }
0x6d: {  	_ =	shalt  }
0x6e: {  	_ =	shalt  }
0x6f: {  	_ =	shalt  }
0x70: {  	_ =	shalt  }
0x71: {  	_ =	shalt  }
0x72: {  	_ =	shalt  }
0x73: {  	_ =	shalt  }
0x74: {  	_ =	shalt  }
0x75: {  	_ =	shalt  }
0x76: {  	_ =	shalt  }
0x77: {  	_ =	shalt  }
0x78: {  	_ =	shalt  }
0x79: {  	_ =	shalt  }
0x7a: {  	_ =	shalt  }
0x7b: {  	_ =	shalt  }
0x7c: {  	_ =	shalt  }
0x7d: {  	_ =	shalt  }
0x7e: {  	_ =	shalt  }
0x7f: {  	_ =	shalt  }
0x80: {  	_ =	shalt  }
0x81: {  	_ =	shalt  }
0x82: {  	_ =	shalt  }
0x83: {  	_ =	shalt  }
0x84: {  	_ =	shalt  }
0x85: {  	_ =	shalt  }
0x86: {  	_ =	shalt  }
0x87: {  	_ =	shalt  }
.Lfunc_end0:
.L_simem_size_0:
called_computation_lowered:
.L_overlay_start_0:
0x88: {  	s2 =	sld [smem:$0x3FD9]  }
0x89: {  	s3 =	sld [smem:$0x3FFE];
	_ =	sdelay $0x1  }
0x8a: {  	s1 =	srdreg.scid  }
0x8b: {  	s0 =	sand.u32 $0x1, s1  }
0x8c: {  	s18 =	sshll.u32 s0, $0xA;
	s2 =	sadd.s32 s3, s2  }
0x8d: {  	s2 =	sadd.s32 s2, s18  }
0x8e: {  	[smem:$0x3FC7] =	sst s2  }
0x8f: {  	_ = 	snop  }
0x90: {  	s2 =	sld [smem:$0x3FC9]  }
0x91: {  	s19 =	sld [smem:$0x3FD0];
	(tm) =	ssettm $0x1  }
0x92: {  	s4 =	sld [smem:$0x3FFB];
	_ =	sdelay $0x3  }
0x93: {  	_ =	strace s4  }
0x94: {  	s4 =	sld [smem:$0x3FFC];
	_ =	sdelay $0x3  }
0x95: {  	_ =	strace s4  }
0x96: {  	s4 =	sld [smem:$0x3FFD];
	_ =	sdelay $0x3  }
0x97: {  	_ =	strace s4  }
0x98: {  	_ =	strace $0x8FFFFFFF  }
0x99: {  	s20 =	sld [smem:$0x3FDB];
	_ =	sdelay $0x1  }
0x9a: {  	s5 =	simm.s32 $_scs_section_size  }
0x9b: {  	s6 =	simm.s32 $_size__tile_overlayer_lowered;
	s7 =	simm.s32 $_tile_overlayer_lowered  }
0x9c: {  	s23 =	simm.s32 $0x1BFF;
	s22 =	sshll.u32 s7, $0x1;
	s4 =	sadd.s32 s5, s20  }
0x9d: {  	s8 =	simm.s32 $0x0;
	s21 =	sshll.u32 s6, $0x1;
	s6 =	sadd.s32 s22, s4  }
0x9e: {  	[timem:s8], [sflag:s23] =	dma.local [hbm:s6], s21  }
0x9f: {  	_ =	swait.ge [sflag:s23], s21  }
0xa0: {  	s5 =	ssub.s32 $0x0, s21;
	[sflag:s23] =	ssyncset.done $0x0  }
0xa1: {  	[sflag:s23] =	ssyncadd.s32 s5;
	_ =	sdelay $0x1  }
0xa2: {  	s24 =	simm.s32 $0x1B8B  }
0xa3: {  	_ =	swait.ge [sflag:s24], $0x1  }
0xa4: {  	[sflag:s24] =	ssyncset.done $0x0  }
0xa5: {  	s25 =	simm.s32 $0x1B8E;
	[sflag:s24] =	ssyncadd.s32 $0xFFFFFFFF  }
0xa6: {  	s26 =	simm.s32 $execute0_lowered;
	[smem:$0x3FD2] =	sst s25  }
0xa7: {  	s5 =	sshll.u32 s26, $0x1;
	_ =	strace $0x80000046;
	[dreg:$0x1] =	wrdreg $0xFFFFFFFF  }
0xa8: {  	s28 =	simm.s32 $_size_execute0_lowered;
	s4 =	sadd.s32 s4, s5;
	[dreg:$0x0] =	wrdreg $0x0  }
0xa9: {  	s5 =	sshll.u32 s28, $0x1;
	[dreg:$0x2] =	wrdreg s4  }
0xaa: {  	[dreg:$0x3] =	wrdreg s5  }
0xab: {  	[dreg:$0x4] =	wrdreg $0xC0  }
0xac: {  	_ =	task [dreg:s8], $0x5FFFF  }
0xad: {  	[dreg:$0x1] =	wrdreg $0xFFFFFFFF  }
0xae: {  	[dreg:$0x0] =	wrdreg $0x60  }
0xaf: {  	[dreg:$0x2] =	wrdreg s2  }
0xb0: {  	[dreg:$0x3] =	wrdreg s19  }
0xb1: {  	[dreg:$0x4] =	wrdreg $0x9  }
0xb2: {  	_ =	task.clear_ibuf [dreg:s8], $0x5FFFF;
	_ =	strace $0x90000046  }
0xb3: {  	s29 =	simm.s32 $0x9;
	_ =	strace $0x80000048  }
0xb4: {  	_ =	swait.ge [sflag:s29], $0x1  }
0xb5: {  	[sflag:s29] =	ssyncadd.s32 $0xFFFFFFFF  }
0xb6: {  	_ =	strace $0x90000048  }
0xb7: {  	_ =	sfence  }
0xb8: {  	s30 =	sld [smem:$0x0];
	_ =	sdelay $0x2  }
0xb9: {  	s31 =	sshll.u32 s1, $0xD;
	s1 =	sshrl.u32 s1, $0x2  }
0xba: {  	s3 =	sand.u32 $0x4000, s31;
	s1 =	sadd.s32 s1, s30  }
0xbb: {  	s0 =	sor.u32 s3, s0;
	s1 =	sshll.u32 s1, $0x11  }
0xbc: {  	s0 =	sor.u32 s1, s0  }
0xbd: {  	s0 =	sadd.s32 $0x8F2B, s0  }
0xbe: {  	[sflag:s0] =	ssyncadd.remote.s32 $0x1  }
0xbf: {  	_ =	sfence.sel $0xFFFF  }
0xc0: {  	[dreg:$0x0] =	wrdreg $0xFFFFFFFF;
	(pc) =	sbr.abs _section_cstart, $3  }
0xc1: {  	[dreg:$0x1] =	wrdreg $0xFFFFFFFF  }
0xc2: {  	_ =	task.clear_ibuf [dreg:s8], $0x2FFFF;
	_ =	strace $0x9FFFFFFF  }
0xc3: {  	(tm) =	ssettm $0x7FFFFFFF  }
tec
execute0_lowered:
.L_overlay_start_1:
0x0: {  	(tag) =	ssettag $0x1  }
0x1: {  	s0 =	srdreg.scid;
	s1 =	stileid.u32  }
0x2: {  	s0 =	sand.u32 $0x1, s0;
	s1 =	sshll.u32 s1, $0x1  }
0x3: {  	s2 =	rddreg [dreg:$0x1];
	s3 =	simm.s32 $0x0;
	s1 =	sor.u32 s0, s1  }
0x4: {  	[smem:$0x7FF] =	sst s3;
	s4 =	smul.u32 $0xC7000, s1  }
0x5: {  	s24 =	sadd.s32 $0x31C000, s2;
	s0 =	ssub.s32 $0x2, s0;
	_ =	strace $0x80000047  }
0x6: {  	s5 =	sshrl.u32 s0, $0x1;
	p0 =	sne.s32 s1, $0x0;
	s4 =	sshrl.u32 s4, $0x3  }
0x7: {  	s1 =	simm.s32 $0x1;
	s0 =	ssub.s32 s0, s5;
	s4 =	sadd.s32 s2, s4  }
0x8: {  	s25 =	smax.u32 s0, $0x1;
	s2 =	simm.s32 $0x0;
	s26 =	sadd.s32 $0x1000, s4  }
0x9: {  	s6 =	sadd.s32 $0x2000, s4;
	s7 =	sadd.s32 $0x3000, s4;
	s8 =	sadd.s32 $0x4000, s4  }
0xa: {  	s9 =	sadd.s32 $0x5000, s4;
	s10 =	sadd.s32 $0x6000, s4;
	s11 =	sadd.s32 $0x7000, s4  }
0xb: {  	s12 =	sadd.s32 $0x8000, s4;
	s13 =	sadd.s32 $0x9000, s4;
	s14 =	sadd.s32 $0xA000, s4  }
0xc: {  	s15 =	sadd.s32 $0xB000, s4;
	s16 =	sadd.s32 $0xC000, s4;
	s17 =	sadd.s32 $0xD000, s4  }
0xd: {  	s18 =	sadd.s32 $0xE000, s4;
	s19 =	sadd.s32 $0xF000, s4;
	s20 =	sadd.s32 $0x10000, s4  }
0xe: {  	s21 =	sadd.s32 $0x11000, s4;
	s22 =	sadd.s32 $0x12000, s4;
	s23 =	sadd.s32 $0x13000, s4  }
0xf: {  	s28 =	sadd.s32 $0x15000, s4;
	s29 =	sadd.s32 $0x16000, s4;
	s30 =	sadd.s32 $0x17000, s4  }
0x10: {  	v0 =	vimm.f32 $0.0e+00;
	s31 =	sadd.s32 $0x18000, s4;
	[dreg:$0x3] =	wrdreg s26;
	s26 =	sadd.s32 $0x14000, s4  }
.LBB2_1:
0x11: {  	s0 =	simm.s32 $0x40;
	s5 =	simm.s32 $0x0  }
.LBB2_2:
0x12: {  	p1 =	sne.s32 s0, $0x1FFC0;
	[tilespmem:s5+$0x0] =	vst v0;
	s5 =	smov.u32 s0;
	s0 =	sadd.s32 $0x40, s0  }
.Ltmp0:
0x13: {  	(pc) =	sbr.rel @p1 .LBB2_2-.Ltmp0, $2  }
0x14: {  	_ =	sdelay $0x2  }
0x15: {  	s5 =	sshra.s32 s5, $0x2  }
0x16: {  	[tilespmem:s5+$0x0] =	vst v0  }
0x17: {  	[hbm4b:s4+s3] =	stream.linear.scatter [tilespmem:s3], [sflag:$0x1], $0x8000, $0x38;
	[tilespmem:$0x8000] =	vst v63  }
0x18: {  	s0 =	rddreg [dreg:$0x3]  }
0x19: {  	[hbm4b:s0+s3] =	stream.linear.scatter [tilespmem:s3], [sflag:$0x1], $0x8000, $0x38;
	[tilespmem:$0x8000] =	vst v63  }
0x1a: {  	_ = 	snop  }
0x1b: {  	[hbm4b:s6+s3] =	stream.linear.scatter [tilespmem:s3], [sflag:$0x1], $0x8000, $0x38;
	[tilespmem:$0x8000] =	vst v63  }
0x1c: {  	_ = 	snop  }
0x1d: {  	[hbm4b:s7+s3] =	stream.linear.scatter [tilespmem:s3], [sflag:$0x1], $0x8000, $0x38;
	[tilespmem:$0x8000] =	vst v63  }
0x1e: {  	_ = 	snop  }
0x1f: {  	[hbm4b:s8+s3] =	stream.linear.scatter [tilespmem:s3], [sflag:$0x1], $0x8000, $0x38;
	[tilespmem:$0x8000] =	vst v63  }
0x20: {  	_ = 	snop  }
0x21: {  	[hbm4b:s9+s3] =	stream.linear.scatter [tilespmem:s3], [sflag:$0x1], $0x8000, $0x38;
	[tilespmem:$0x8000] =	vst v63  }
0x22: {  	_ = 	snop  }
0x23: {  	[hbm4b:s10+s3] =	stream.linear.scatter [tilespmem:s3], [sflag:$0x1], $0x8000, $0x38;
	[tilespmem:$0x8000] =	vst v63  }
0x24: {  	_ = 	snop  }
0x25: {  	[hbm4b:s11+s3] =	stream.linear.scatter [tilespmem:s3], [sflag:$0x1], $0x8000, $0x38;
	[tilespmem:$0x8000] =	vst v63  }
0x26: {  	_ = 	snop  }
0x27: {  	[hbm4b:s12+s3] =	stream.linear.scatter [tilespmem:s3], [sflag:$0x1], $0x8000, $0x38;
	[tilespmem:$0x8000] =	vst v63  }
0x28: {  	_ = 	snop  }
0x29: {  	[hbm4b:s13+s3] =	stream.linear.scatter [tilespmem:s3], [sflag:$0x1], $0x8000, $0x38;
	[tilespmem:$0x8000] =	vst v63  }
0x2a: {  	_ = 	snop  }
0x2b: {  	[hbm4b:s14+s3] =	stream.linear.scatter [tilespmem:s3], [sflag:$0x1], $0x8000, $0x38;
	[tilespmem:$0x8000] =	vst v63  }
0x2c: {  	_ = 	snop  }
0x2d: {  	[hbm4b:s15+s3] =	stream.linear.scatter [tilespmem:s3], [sflag:$0x1], $0x8000, $0x38;
	[tilespmem:$0x8000] =	vst v63  }
0x2e: {  	_ = 	snop  }
0x2f: {  	[hbm4b:s16+s3] =	stream.linear.scatter [tilespmem:s3], [sflag:$0x1], $0x8000, $0x38;
	[tilespmem:$0x8000] =	vst v63  }
0x30: {  	_ = 	snop  }
0x31: {  	[hbm4b:s17+s3] =	stream.linear.scatter [tilespmem:s3], [sflag:$0x1], $0x8000, $0x38;
	[tilespmem:$0x8000] =	vst v63  }
0x32: {  	_ = 	snop  }
0x33: {  	[hbm4b:s18+s3] =	stream.linear.scatter [tilespmem:s3], [sflag:$0x1], $0x8000, $0x38;
	[tilespmem:$0x8000] =	vst v63  }
0x34: {  	_ = 	snop  }
0x35: {  	[hbm4b:s19+s3] =	stream.linear.scatter [tilespmem:s3], [sflag:$0x1], $0x8000, $0x38;
	[tilespmem:$0x8000] =	vst v63  }
0x36: {  	_ = 	snop  }
0x37: {  	[hbm4b:s20+s3] =	stream.linear.scatter [tilespmem:s3], [sflag:$0x1], $0x8000, $0x38;
	[tilespmem:$0x8000] =	vst v63  }
0x38: {  	_ = 	snop  }
0x39: {  	[hbm4b:s21+s3] =	stream.linear.scatter [tilespmem:s3], [sflag:$0x1], $0x8000, $0x38;
	[tilespmem:$0x8000] =	vst v63  }
0x3a: {  	_ = 	snop  }
0x3b: {  	[hbm4b:s22+s3] =	stream.linear.scatter [tilespmem:s3], [sflag:$0x1], $0x8000, $0x38;
	[tilespmem:$0x8000] =	vst v63  }
0x3c: {  	_ = 	snop  }
0x3d: {  	[hbm4b:s23+s3] =	stream.linear.scatter [tilespmem:s3], [sflag:$0x1], $0x8000, $0x38;
	[tilespmem:$0x8000] =	vst v63  }
0x3e: {  	_ = 	snop  }
0x3f: {  	[hbm4b:s26+s3] =	stream.linear.scatter [tilespmem:s3], [sflag:$0x1], $0x8000, $0x38;
	[tilespmem:$0x8000] =	vst v63  }
0x40: {  	_ = 	snop  }
0x41: {  	[hbm4b:s28+s3] =	stream.linear.scatter [tilespmem:s3], [sflag:$0x1], $0x8000, $0x38;
	[tilespmem:$0x8000] =	vst v63  }
0x42: {  	s0 =	stileid.u32  }
0x43: {  	[hbm4b:s29+s3] =	stream.linear.scatter [tilespmem:s3], [sflag:$0x1], $0x8000, $0x38;
	[tilespmem:$0x8000] =	vst v63  }
0x44: {  	s0 =	sshll.u32 @!p0 s0, $0x6  }
0x45: {  	[hbm4b:s30+s3] =	stream.linear.scatter [tilespmem:s3], [sflag:$0x1], $0x8000, $0x38;
	[tilespmem:$0x8000] =	vst v63  }
0x46: {  	s5 =	rddreg [dreg:$0x0];
	s0 =	sor.u32 @!p0 $0x1C02, s0  }
0x47: {  	[hbm4b:s31+s3] =	stream.linear.scatter [tilespmem:s3], [sflag:$0x1], $0x7000, $0x38;
	[tilespmem:$0x8000] =	vst v63  }
0x48: {  	[hbm:s24], [sflag:s0] =	dma.local @!p0 [hbm:s5], $0x4000  }
0x49: {  	s0 =	simm.s32 @!p0 $0x2  }
0x4a: {  	_ =	swait.ge @!p0 [sflag:s0], $0x4000  }
0x4b: {  	[sflag:s0] =	ssyncset.done @!p0 $0x0  }
0x4c: {  	[sflag:s0] =	ssyncadd.s32 @!p0 $0xFFFFC000  }
0x4d: {  	_ =	swait.ge [sflag:s1], $0x8000  }
0x4e: {  	[sflag:s1] =	ssyncset.done $0x0  }
0x4f: {  	[sflag:s1] =	ssyncadd.s32 $0xFFFF8000  }
0x50: {  	_ =	swait.ge [sflag:s1], $0x8000  }
0x51: {  	[sflag:s1] =	ssyncset.done $0x0  }
0x52: {  	[sflag:s1] =	ssyncadd.s32 $0xFFFF8000  }
0x53: {  	_ =	swait.ge [sflag:s1], $0x8000  }
0x54: {  	[sflag:s1] =	ssyncset.done $0x0  }
0x55: {  	[sflag:s1] =	ssyncadd.s32 $0xFFFF8000  }
0x56: {  	_ =	swait.ge [sflag:s1], $0x8000  }
0x57: {  	[sflag:s1] =	ssyncset.done $0x0  }
0x58: {  	[sflag:s1] =	ssyncadd.s32 $0xFFFF8000  }
0x59: {  	_ =	swait.ge [sflag:s1], $0x8000  }
0x5a: {  	[sflag:s1] =	ssyncset.done $0x0  }
0x5b: {  	[sflag:s1] =	ssyncadd.s32 $0xFFFF8000  }
0x5c: {  	_ =	swait.ge [sflag:s1], $0x8000  }
0x5d: {  	[sflag:s1] =	ssyncset.done $0x0  }
0x5e: {  	[sflag:s1] =	ssyncadd.s32 $0xFFFF8000  }
0x5f: {  	_ =	swait.ge [sflag:s1], $0x8000  }
0x60: {  	[sflag:s1] =	ssyncset.done $0x0  }
0x61: {  	[sflag:s1] =	ssyncadd.s32 $0xFFFF8000  }
0x62: {  	_ =	swait.ge [sflag:s1], $0x8000  }
0x63: {  	[sflag:s1] =	ssyncset.done $0x0  }
0x64: {  	[sflag:s1] =	ssyncadd.s32 $0xFFFF8000  }
0x65: {  	_ =	swait.ge [sflag:s1], $0x8000  }
0x66: {  	[sflag:s1] =	ssyncset.done $0x0  }
0x67: {  	[sflag:s1] =	ssyncadd.s32 $0xFFFF8000  }
0x68: {  	_ =	swait.ge [sflag:s1], $0x8000  }
0x69: {  	[sflag:s1] =	ssyncset.done $0x0  }
0x6a: {  	[sflag:s1] =	ssyncadd.s32 $0xFFFF8000  }
0x6b: {  	_ =	swait.ge [sflag:s1], $0x8000  }
0x6c: {  	[sflag:s1] =	ssyncset.done $0x0  }
0x6d: {  	[sflag:s1] =	ssyncadd.s32 $0xFFFF8000  }
0x6e: {  	_ =	swait.ge [sflag:s1], $0x8000  }
0x6f: {  	[sflag:s1] =	ssyncset.done $0x0  }
0x70: {  	[sflag:s1] =	ssyncadd.s32 $0xFFFF8000  }
0x71: {  	_ =	swait.ge [sflag:s1], $0x8000  }
0x72: {  	[sflag:s1] =	ssyncset.done $0x0  }
0x73: {  	[sflag:s1] =	ssyncadd.s32 $0xFFFF8000  }
0x74: {  	_ =	swait.ge [sflag:s1], $0x8000  }
0x75: {  	[sflag:s1] =	ssyncset.done $0x0  }
0x76: {  	[sflag:s1] =	ssyncadd.s32 $0xFFFF8000  }
0x77: {  	_ =	swait.ge [sflag:s1], $0x8000  }
0x78: {  	[sflag:s1] =	ssyncset.done $0x0  }
0x79: {  	[sflag:s1] =	ssyncadd.s32 $0xFFFF8000  }
0x7a: {  	_ =	swait.ge [sflag:s1], $0x8000  }
0x7b: {  	[sflag:s1] =	ssyncset.done $0x0  }
0x7c: {  	[sflag:s1] =	ssyncadd.s32 $0xFFFF8000  }
0x7d: {  	_ =	swait.ge [sflag:s1], $0x8000  }
0x7e: {  	[sflag:s1] =	ssyncset.done $0x0  }
0x7f: {  	[sflag:s1] =	ssyncadd.s32 $0xFFFF8000  }
0x80: {  	_ =	swait.ge [sflag:s1], $0x8000  }
0x81: {  	[sflag:s1] =	ssyncset.done $0x0  }
0x82: {  	[sflag:s1] =	ssyncadd.s32 $0xFFFF8000  }
0x83: {  	_ =	swait.ge [sflag:s1], $0x8000  }
0x84: {  	[sflag:s1] =	ssyncset.done $0x0  }
0x85: {  	[sflag:s1] =	ssyncadd.s32 $0xFFFF8000  }
0x86: {  	_ =	swait.ge [sflag:s1], $0x8000  }
0x87: {  	[sflag:s1] =	ssyncset.done $0x0  }
0x88: {  	[sflag:s1] =	ssyncadd.s32 $0xFFFF8000  }
0x89: {  	_ =	swait.ge [sflag:s1], $0x8000  }
0x8a: {  	[sflag:s1] =	ssyncset.done $0x0  }
0x8b: {  	[sflag:s1] =	ssyncadd.s32 $0xFFFF8000  }
0x8c: {  	_ =	swait.ge [sflag:s1], $0x8000  }
0x8d: {  	[sflag:s1] =	ssyncset.done $0x0  }
0x8e: {  	[sflag:s1] =	ssyncadd.s32 $0xFFFF8000  }
0x8f: {  	_ =	swait.ge [sflag:s1], $0x8000  }
0x90: {  	[sflag:s1] =	ssyncset.done $0x0  }
0x91: {  	s2 =	sadd.s32 $0x1, s2;
	[sflag:s1] =	ssyncadd.s32 $0xFFFF8000  }
0x92: {  	p1 =	sne.s32 s2, s25;
	_ =	swait.ge [sflag:s1], $0x8000  }
.Ltmp1:
0x93: {  	[sflag:s1] =	ssyncset.done $0x0;
	(pc) =	sbr.rel @p1 .LBB2_1-.Ltmp1, $4  }
0x94: {  	[sflag:s1] =	ssyncadd.s32 $0xFFFF8000  }
0x95: {  	_ =	swait.ge [sflag:s1], $0x7000  }
0x96: {  	[sflag:s1] =	ssyncset.done $0x0  }
0x97: {  	[sflag:s1] =	ssyncadd.s32 $0xFFFF9000  }
0x98: {  	_ =	sfence.sel $0x180000  }
0x99: {  	[bflag:$0x0] =	sbarrier.arrive $0xFFFF  }
0x9a: {  	_ =	strace $0x90000047  }
0x9b: {  	s0 =	stileid.u32;
	[bflag:$0x2] =	sbarrier.arrive $0xFFFF  }
0x9c: {  	p0 =	sne.s32 s0, $0x0;
	s0 =	rddreg [dreg:$0x2]  }
0x9d: {  	s0 =	sadd.s32 @!p0 $0x100000, s0  }
0x9e: {  	[sflag:s0] =	ssyncadd.tile.s32 @!p0 $0x1;
	_ =	shalt  }
.Lfunc_end2:
_tile_overlayer_lowered:
.L_overlay_start_2:
0x9f: {  	(tag) =	ssettag $0x2  }
0xa0: {  	s0 =	rddreg [dreg:$0x0];
	s2 =	stileid.u32  }
0xa1: {  	s1 =	rddreg [dreg:$0x1];
	p0 =	sne.s32 s2, $0x0  }
0xa2: {  	s3 =	rddreg [dreg:$0x2];
	[bflag:$0x3] =	sbarrier.arrive $0xFFFF;
	s2 =	simm.s32 @!p0 $0x1C02  }
0xa3: {  	[timem:s3], [sflag:s2] =	dma.local @!p0 [hbm:s0], s1  }
0xa4: {  	s0 =	simm.s32 @!p0 $0x2  }
0xa5: {  	_ =	swait.ge @!p0 [sflag:s0], s1  }
0xa6: {  	s1 =	ssub.s32 @!p0 $0x0, s1;
	[sflag:s0] =	ssyncset.done @!p0 $0x0  }
0xa7: {  	[sflag:s0] =	ssyncadd.s32 @!p0 s1  }
0xa8: {  	[bflag:$0x3] =	sbarrier.arrive $0xFFFF  }
0xa9: {  	_ =	shalt  }

</sc_bundles>
